<compile_context>
chip_gen: v7x
topology: tpu7x:2x2x1
jax: 0.10.2.dev20260603
libtpu: 0.0.44.dev20260713+nightly
codegen_flags: <defaults>
</compile_context>

<pallas_src>
import functools

import jax
import jax.numpy as jnp
from jax import lax
from jax.experimental import pallas as pl
from jax.experimental.pallas import tpu as pltpu
from jax.experimental.pallas import tpu_sc as plsc

VOCAB = 100000
EMB = 128
B = 4096
S = 200

_NC = 2
_NS = 16
_NW = _NC * _NS

_SEQ_PER_W = B // _NW
_HALF = S // 2


def _sc_kernel(ids_hbm, table_hbm, pe_hbm, out_hbm, idx_v, pe_v, rows_v, sem):
    wid = lax.axis_index("s") * _NC + lax.axis_index("c")

    pltpu.sync_copy(pe_hbm, pe_v)

    def seq_body(t, carry):
        seq = wid * _SEQ_PER_W + t
        pltpu.sync_copy(ids_hbm.at[pl.ds(2 * seq, 2)], idx_v)
        cp0 = pltpu.make_async_copy(table_hbm.at[idx_v.at[0]],
                                    rows_v.at[pl.ds(0, _HALF)], sem)
        cp1 = pltpu.make_async_copy(table_hbm.at[idx_v.at[1]],
                                    rows_v.at[pl.ds(_HALF, _HALF)], sem)
        cp0.start()
        cp1.start()
        cp0.wait()
        cp1.wait()

        def add_body(i, c):
            for j in range(EMB // 16):
                sl = pl.ds(j * 16, 16)
                rows_v[i, sl] = rows_v[i, sl] + pe_v[i, sl]
            return c

        lax.fori_loop(0, S, add_body, 0, unroll=2)

        pltpu.sync_copy(rows_v, out_hbm.at[pl.ds(seq * S, S)])
        return carry

    lax.fori_loop(0, _SEQ_PER_W, seq_body, 0)


@functools.partial(jax.jit, static_argnames=())
def kernel(input_ids, table, pe):
    ids_flat = input_ids.reshape(2 * B, _HALF).astype(jnp.int32)
    pe_s = pe[:S, :]
    mesh = plsc.VectorSubcoreMesh(core_axis_name="c", subcore_axis_name="s")
    out = pl.kernel(
        _sc_kernel,
        mesh=mesh,
        out_type=jax.ShapeDtypeStruct((B * S, EMB), jnp.float32),
        scratch_types=[
            pltpu.VMEM((2, _HALF), jnp.int32),
            pltpu.VMEM((S, EMB), jnp.float32),
            pltpu.VMEM((S, EMB), jnp.float32),
            pltpu.SemaphoreType.DMA,
        ],
    )(ids_flat, table, pe_s)
    return out.reshape(B, S, EMB)

# --- scband reference (transcript-rebuilt; emitter-appended) ---
"""Pipeline reference for scband-embeddings-67267777790234 (READ-ONLY COPY).

The authoritative reference and input builder live on the scoring server;
editing this copy changes nothing except your own understanding.
"""

import jax, jax.numpy as jnp
import numpy as np

VOCAB = 100000
EMB = 128
MAXLEN = 512
B = 4096
S = 200


def _make_pe():
    position = np.arange(0, MAXLEN, dtype=np.float32)[:, None]
    d = np.power(10000.0, -np.arange(0, EMB, 2).astype(np.float32) / EMB)[None, :]
    angles = position * d
    pe = np.zeros((MAXLEN, EMB), dtype=np.float32)
    pe[:, 0::2] = np.sin(angles)
    pe[:, 1::2] = np.cos(angles)
    return jnp.asarray(pe)


def setup_inputs(seed: int = 0) -> dict:
    key = jax.random.key(seed)
    k1, k2 = jax.random.split(key)
    input_ids = jax.random.randint(k1, (B, S), 0, VOCAB, dtype=jnp.int64 if jax.config.jax_enable_x64 else jnp.int32).astype(jnp.int32)
    table = jax.random.normal(k2, (VOCAB, EMB), dtype=jnp.float32)
    pe = _make_pe()
    return {"input_ids": input_ids, "table": table, "pe": pe}


def reference(input_ids, table, pe):
    seq_length = input_ids.shape[1]
    # embedding gather + positional encoding broadcast-add
    return jnp.take(table, input_ids, axis=0) + pe[:seq_length, :]

if __name__ == "__main__":
    import jax
    _d = setup_inputs()
    print(jax.jit(kernel)(*tuple(_d.values())))

</pallas_src>

<mosaic_0001>
#map = affine_map<(d0, d1) -> (0, 0)>
module attributes {stable_mosaic.version = 14 : i64} {
  func.func @_sc_kernel(%arg0: i32, %arg1: i32, %arg2: memref<8192x100xi32, #tpu.memory_space<hbm>>, %arg3: memref<100000x128xf32, #tpu.memory_space<hbm>>, %arg4: memref<200x128xf32, #tpu.memory_space<hbm>>, %arg5: memref<819200x128xf32, #tpu.memory_space<hbm>>, %arg6: memref<2x100xi32, #tpu.memory_space<vmem>>, %arg7: memref<200x128xf32, #tpu.memory_space<vmem>>, %arg8: memref<200x128xf32, #tpu.memory_space<vmem>>, %arg9: memref<!tpu.dma_semaphore, #tpu.memory_space<semaphore_mem>>) attributes {dimension_semantics = [#tpu.dimension_semantics<core_parallel>, #tpu.dimension_semantics<subcore_parallel>], iteration_bounds = array<i64: 2, 16>, scalar_prefetch = 0 : i64, scratch_operands = 4 : i64, tpu.core_type = #tpu.core_type<sc_vector_subcore>, window_params = [{transform_indices = #map}, {transform_indices = #map}, {transform_indices = #map}, {transform_indices = #map}]} {
    %mul3A = arith.constant 2 : i32
    %mul3A_0 = arith.muli %arg1, %mul3A : i32
    %add3A = arith.addi %mul3A_0, %arg0 : i32
    "tpu.region"() ({
      %run_scoped3A = tpu.sem_alloc : memref<!tpu.dma_semaphore, #tpu.memory_space<semaphore_mem>>
      tpu.enqueue_dma source(%arg4 : memref<200x128xf32, #tpu.memory_space<hbm>>) target(%arg7 : memref<200x128xf32, #tpu.memory_space<vmem>>) target_semaphore(%run_scoped3A : memref<!tpu.dma_semaphore, #tpu.memory_space<semaphore_mem>>)
      tpu.wait_dma2 semaphore(%run_scoped3A : memref<!tpu.dma_semaphore, #tpu.memory_space<semaphore_mem>>) src(%arg4 : memref<200x128xf32, #tpu.memory_space<hbm>>) dst(%arg7 : memref<200x128xf32, #tpu.memory_space<vmem>>)
      tpu.yield
    }) : () -> ()
    %scan3A = arith.constant 0 : i32
    %scan3A_1 = arith.constant 0 : i32
    %scan3A_2 = arith.constant 128 : i32
    %scan3A_3 = arith.addi %scan3A_1, %scan3A_2 : i32
    %scan3A_4 = arith.constant 1 : i32
    scf.for %scan3A_6 = %scan3A_1 to %scan3A_3 step %scan3A_4  : i32 {
      %mul3A_7 = arith.constant 128 : i32
      %mul3A_8 = arith.muli %add3A, %mul3A_7 : i32
      %add3A_9 = arith.addi %mul3A_8, %scan3A_6 : i32
      %mul3A_10 = arith.constant 2 : i32
      %mul3A_11 = arith.muli %mul3A_10, %add3A_9 : i32
      "tpu.region"() ({
        %run_scoped3A = tpu.sem_alloc : memref<!tpu.dma_semaphore, #tpu.memory_space<semaphore_mem>>
        %dma_start3A_58 = arith.constant 0 : i32
        %dma_start3A_59 = tpu.memref_slice %arg2[%mul3A_11, %dma_start3A_58] : memref<8192x100xi32, #tpu.memory_space<hbm>> -> memref<2x100xi32, #tpu.memory_space<hbm>>
        %dma_start3A_60 = arith.constant 0 : i32
        %dma_start3A_61 = tpu.memref_slice %arg2[%mul3A_11, %dma_start3A_60] : memref<8192x100xi32, #tpu.memory_space<hbm>> -> memref<2x100xi32, #tpu.memory_space<hbm>>
        tpu.enqueue_dma source(%dma_start3A_61 : memref<2x100xi32, #tpu.memory_space<hbm>>) target(%arg6 : memref<2x100xi32, #tpu.memory_space<vmem>>) target_semaphore(%run_scoped3A : memref<!tpu.dma_semaphore, #tpu.memory_space<semaphore_mem>>)
        %dma_wait3A_62 = arith.constant 0 : i32
        %dma_wait3A_63 = tpu.memref_slice %arg2[%mul3A_11, %dma_wait3A_62] : memref<8192x100xi32, #tpu.memory_space<hbm>> -> memref<2x100xi32, #tpu.memory_space<hbm>>
        %dma_wait3A_64 = arith.constant 0 : i32
        %dma_wait3A_65 = tpu.memref_slice %arg2[%mul3A_11, %dma_wait3A_64] : memref<8192x100xi32, #tpu.memory_space<hbm>> -> memref<2x100xi32, #tpu.memory_space<hbm>>
        tpu.wait_dma2 semaphore(%run_scoped3A : memref<!tpu.dma_semaphore, #tpu.memory_space<semaphore_mem>>) src(%dma_wait3A_65 : memref<2x100xi32, #tpu.memory_space<hbm>>) dst(%arg6 : memref<2x100xi32, #tpu.memory_space<vmem>>)
        tpu.yield
      }) : () -> ()
      %dma_start3A = arith.constant 0 : i32
      %dma_start3A_12 = arith.constant 0 : i32
      %dma_start3A_13 = arith.constant 0 : i32
      %dma_start3A_14 = tpu.memref_slice %arg8[%dma_start3A_12, %dma_start3A_13] : memref<200x128xf32, #tpu.memory_space<vmem>> -> memref<100x128xf32, #tpu.memory_space<vmem>>
      %dma_start3A_15 = arith.constant 0 : i32
      %dma_start3A_16 = tpu.memref_slice %arg6[%dma_start3A, %dma_start3A_15] : memref<2x100xi32, #tpu.memory_space<vmem>> -> memref<1x100xi32, #tpu.memory_space<vmem>>
      %dma_start3A_17 = tpu.memref_squeeze %dma_start3A_16 : memref<1x100xi32, #tpu.memory_space<vmem>> -> memref<100xi32, #tpu.memory_space<vmem>>
      %dma_start3A_18 = arith.constant 0 : i32
      %dma_start3A_19 = arith.constant 0 : i32
      %dma_start3A_20 = tpu.memref_slice %arg3[%dma_start3A_18, %dma_start3A_19] : memref<100000x128xf32, #tpu.memory_space<hbm>> -> memref<100000x128xf32, #tpu.memory_space<hbm>>
      tpu.enqueue_indirect_dma source(%dma_start3A_20 : memref<100000x128xf32, #tpu.memory_space<hbm>>) target(%dma_start3A_14 : memref<100x128xf32, #tpu.memory_space<vmem>>) offsets(%dma_start3A_17 : memref<100xi32, #tpu.memory_space<vmem>>) semaphore(%arg9 : memref<!tpu.dma_semaphore, #tpu.memory_space<semaphore_mem>>)
      %dma_start3A_21 = arith.constant 1 : i32
      %dma_start3A_22 = arith.constant 100 : i32
      %dma_start3A_23 = arith.constant 0 : i32
      %dma_start3A_24 = tpu.memref_slice %arg8[%dma_start3A_22, %dma_start3A_23] : memref<200x128xf32, #tpu.memory_space<vmem>> -> memref<100x128xf32, #tpu.memory_space<vmem>>
      %dma_start3A_25 = arith.constant 0 : i32
      %dma_start3A_26 = tpu.memref_slice %arg6[%dma_start3A_21, %dma_start3A_25] : memref<2x100xi32, #tpu.memory_space<vmem>> -> memref<1x100xi32, #tpu.memory_space<vmem>>
      %dma_start3A_27 = tpu.memref_squeeze %dma_start3A_26 : memref<1x100xi32, #tpu.memory_space<vmem>> -> memref<100xi32, #tpu.memory_space<vmem>>
      %dma_start3A_28 = arith.constant 0 : i32
      %dma_start3A_29 = arith.constant 0 : i32
      %dma_start3A_30 = tpu.memref_slice %arg3[%dma_start3A_28, %dma_start3A_29] : memref<100000x128xf32, #tpu.memory_space<hbm>> -> memref<100000x128xf32, #tpu.memory_space<hbm>>
      tpu.enqueue_indirect_dma source(%dma_start3A_30 : memref<100000x128xf32, #tpu.memory_space<hbm>>) target(%dma_start3A_24 : memref<100x128xf32, #tpu.memory_space<vmem>>) offsets(%dma_start3A_27 : memref<100xi32, #tpu.memory_space<vmem>>) semaphore(%arg9 : memref<!tpu.dma_semaphore, #tpu.memory_space<semaphore_mem>>)
      %dma_wait3A = arith.constant 0 : i32
      %dma_wait3A_31 = arith.constant 0 : i32
      %dma_wait3A_32 = arith.constant 0 : i32
      %dma_wait3A_33 = tpu.memref_slice %arg8[%dma_wait3A_31, %dma_wait3A_32] : memref<200x128xf32, #tpu.memory_space<vmem>> -> memref<100x128xf32, #tpu.memory_space<vmem>>
      %dma_wait3A_34 = arith.constant 0 : i32
      %dma_wait3A_35 = tpu.memref_slice %arg6[%dma_wait3A, %dma_wait3A_34] : memref<2x100xi32, #tpu.memory_space<vmem>> -> memref<1x100xi32, #tpu.memory_space<vmem>>
      %dma_wait3A_36 = tpu.memref_squeeze %dma_wait3A_35 : memref<1x100xi32, #tpu.memory_space<vmem>> -> memref<100xi32, #tpu.memory_space<vmem>>
      %dma_wait3A_37 = arith.constant 0 : i32
      %dma_wait3A_38 = arith.constant 0 : i32
      %dma_wait3A_39 = tpu.memref_slice %arg3[%dma_wait3A_37, %dma_wait3A_38] : memref<100000x128xf32, #tpu.memory_space<hbm>> -> memref<100000x128xf32, #tpu.memory_space<hbm>>
      tpu.wait_indirect_dma semaphore(%arg9 : memref<!tpu.dma_semaphore, #tpu.memory_space<semaphore_mem>>) src(%dma_wait3A_39 : memref<100000x128xf32, #tpu.memory_space<hbm>>) dst(%dma_wait3A_33 : memref<100x128xf32, #tpu.memory_space<vmem>>)
      %dma_wait3A_40 = arith.constant 1 : i32
      %dma_wait3A_41 = arith.constant 100 : i32
      %dma_wait3A_42 = arith.constant 0 : i32
      %dma_wait3A_43 = tpu.memref_slice %arg8[%dma_wait3A_41, %dma_wait3A_42] : memref<200x128xf32, #tpu.memory_space<vmem>> -> memref<100x128xf32, #tpu.memory_space<vmem>>
      %dma_wait3A_44 = arith.constant 0 : i32
      %dma_wait3A_45 = tpu.memref_slice %arg6[%dma_wait3A_40, %dma_wait3A_44] : memref<2x100xi32, #tpu.memory_space<vmem>> -> memref<1x100xi32, #tpu.memory_space<vmem>>
      %dma_wait3A_46 = tpu.memref_squeeze %dma_wait3A_45 : memref<1x100xi32, #tpu.memory_space<vmem>> -> memref<100xi32, #tpu.memory_space<vmem>>
      %dma_wait3A_47 = arith.constant 0 : i32
      %dma_wait3A_48 = arith.constant 0 : i32
      %dma_wait3A_49 = tpu.memref_slice %arg3[%dma_wait3A_47, %dma_wait3A_48] : memref<100000x128xf32, #tpu.memory_space<hbm>> -> memref<100000x128xf32, #tpu.memory_space<hbm>>
      tpu.wait_indirect_dma semaphore(%arg9 : memref<!tpu.dma_semaphore, #tpu.memory_space<semaphore_mem>>) src(%dma_wait3A_49 : memref<100000x128xf32, #tpu.memory_space<hbm>>) dst(%dma_wait3A_43 : memref<100x128xf32, #tpu.memory_space<vmem>>)
      %scan3A_50 = arith.constant 0 : i32
      %scan3A_51 = arith.constant 0 : i32
      %scan3A_52 = arith.constant 200 : i32
      %scan3A_53 = arith.addi %scan3A_51, %scan3A_52 : i32
      %scan3A_54 = arith.constant 2 : i32
      scf.for %scan3A_58 = %scan3A_51 to %scan3A_53 step %scan3A_54  : i32 {
        %get3A = arith.index_cast %scan3A_58 : i32 to index
        %get3A_59 = arith.constant 0 : index
        %get3A_60 = tpu.vector_load %arg8[%get3A, %get3A_59] {strides = array<i32>} : memref<200x128xf32, #tpu.memory_space<vmem>>, vector<1x16xf32>,
        %get3A_61 = vector.shape_cast %get3A_60 : vector<1x16xf32> to vector<16xf32>
        %get3A_62 = arith.index_cast %scan3A_58 : i32 to index
        %get3A_63 = arith.constant 0 : index
        %get3A_64 = tpu.vector_load %arg7[%get3A_62, %get3A_63] {strides = array<i32>} : memref<200x128xf32, #tpu.memory_space<vmem>>, vector<1x16xf32>,
        %get3A_65 = vector.shape_cast %get3A_64 : vector<1x16xf32> to vector<16xf32>
        %add3A_66 = arith.addf %get3A_61, %get3A_65 : vector<16xf32>
        %swap3A = arith.index_cast %scan3A_58 : i32 to index
        %swap3A_67 = arith.constant 0 : index
        %swap3A_68 = tpu.vector_load %arg8[%swap3A, %swap3A_67] {strides = array<i32>} : memref<200x128xf32, #tpu.memory_space<vmem>>, vector<1x16xf32>,
        %swap3A_69 = vector.shape_cast %swap3A_68 : vector<1x16xf32> to vector<16xf32>
        %swap3A_70 = vector.shape_cast %add3A_66 : vector<16xf32> to vector<1x16xf32>
        tpu.vector_store %arg8[%swap3A, %swap3A_67], %swap3A_70 {strides = array<i32>} : memref<200x128xf32, #tpu.memory_space<vmem>>, vector<1x16xf32>,
        %get3A_71 = arith.index_cast %scan3A_58 : i32 to index
        %get3A_72 = arith.constant 16 : index
        %get3A_73 = tpu.vector_load %arg8[%get3A_71, %get3A_72] {strides = array<i32>} : memref<200x128xf32, #tpu.memory_space<vmem>>, vector<1x16xf32>,
        %get3A_74 = vector.shape_cast %get3A_73 : vector<1x16xf32> to vector<16xf32>
        %get3A_75 = arith.index_cast %scan3A_58 : i32 to index
        %get3A_76 = arith.constant 16 : index
        %get3A_77 = tpu.vector_load %arg7[%get3A_75, %get3A_76] {strides = array<i32>} : memref<200x128xf32, #tpu.memory_space<vmem>>, vector<1x16xf32>,
        %get3A_78 = vector.shape_cast %get3A_77 : vector<1x16xf32> to vector<16xf32>
        %add3A_79 = arith.addf %get3A_74, %get3A_78 : vector<16xf32>
        %swap3A_80 = arith.index_cast %scan3A_58 : i32 to index
        %swap3A_81 = arith.constant 16 : index
        %swap3A_82 = tpu.vector_load %arg8[%swap3A_80, %swap3A_81] {strides = array<i32>} : memref<200x128xf32, #tpu.memory_space<vmem>>, vector<1x16xf32>,
        %swap3A_83 = vector.shape_cast %swap3A_82 : vector<1x16xf32> to vector<16xf32>
        %swap3A_84 = vector.shape_cast %add3A_79 : vector<16xf32> to vector<1x16xf32>
        tpu.vector_store %arg8[%swap3A_80, %swap3A_81], %swap3A_84 {strides = array<i32>} : memref<200x128xf32, #tpu.memory_space<vmem>>, vector<1x16xf32>,
        %get3A_85 = arith.index_cast %scan3A_58 : i32 to index
        %get3A_86 = arith.constant 32 : index
        %get3A_87 = tpu.vector_load %arg8[%get3A_85, %get3A_86] {strides = array<i32>} : memref<200x128xf32, #tpu.memory_space<vmem>>, vector<1x16xf32>,
        %get3A_88 = vector.shape_cast %get3A_87 : vector<1x16xf32> to vector<16xf32>
        %get3A_89 = arith.index_cast %scan3A_58 : i32 to index
        %get3A_90 = arith.constant 32 : index
        %get3A_91 = tpu.vector_load %arg7[%get3A_89, %get3A_90] {strides = array<i32>} : memref<200x128xf32, #tpu.memory_space<vmem>>, vector<1x16xf32>,
        %get3A_92 = vector.shape_cast %get3A_91 : vector<1x16xf32> to vector<16xf32>
        %add3A_93 = arith.addf %get3A_88, %get3A_92 : vector<16xf32>
        %swap3A_94 = arith.index_cast %scan3A_58 : i32 to index
        %swap3A_95 = arith.constant 32 : index
        %swap3A_96 = tpu.vector_load %arg8[%swap3A_94, %swap3A_95] {strides = array<i32>} : memref<200x128xf32, #tpu.memory_space<vmem>>, vector<1x16xf32>,
        %swap3A_97 = vector.shape_cast %swap3A_96 : vector<1x16xf32> to vector<16xf32>
        %swap3A_98 = vector.shape_cast %add3A_93 : vector<16xf32> to vector<1x16xf32>
        tpu.vector_store %arg8[%swap3A_94, %swap3A_95], %swap3A_98 {strides = array<i32>} : memref<200x128xf32, #tpu.memory_space<vmem>>, vector<1x16xf32>,
        %get3A_99 = arith.index_cast %scan3A_58 : i32 to index
        %get3A_100 = arith.constant 48 : index
        %get3A_101 = tpu.vector_load %arg8[%get3A_99, %get3A_100] {strides = array<i32>} : memref<200x128xf32, #tpu.memory_space<vmem>>, vector<1x16xf32>,
        %get3A_102 = vector.shape_cast %get3A_101 : vector<1x16xf32> to vector<16xf32>
        %get3A_103 = arith.index_cast %scan3A_58 : i32 to index
        %get3A_104 = arith.constant 48 : index
        %get3A_105 = tpu.vector_load %arg7[%get3A_103, %get3A_104] {strides = array<i32>} : memref<200x128xf32, #tpu.memory_space<vmem>>, vector<1x16xf32>,
        %get3A_106 = vector.shape_cast %get3A_105 : vector<1x16xf32> to vector<16xf32>
        %add3A_107 = arith.addf %get3A_102, %get3A_106 : vector<16xf32>
        %swap3A_108 = arith.index_cast %scan3A_58 : i32 to index
        %swap3A_109 = arith.constant 48 : index
        %swap3A_110 = tpu.vector_load %arg8[%swap3A_108, %swap3A_109] {strides = array<i32>} : memref<200x128xf32, #tpu.memory_space<vmem>>, vector<1x16xf32>,
        %swap3A_111 = vector.shape_cast %swap3A_110 : vector<1x16xf32> to vector<16xf32>
        %swap3A_112 = vector.shape_cast %add3A_107 : vector<16xf32> to vector<1x16xf32>
        tpu.vector_store %arg8[%swap3A_108, %swap3A_109], %swap3A_112 {strides = array<i32>} : memref<200x128xf32, #tpu.memory_space<vmem>>, vector<1x16xf32>,
        %get3A_113 = arith.index_cast %scan3A_58 : i32 to index
        %get3A_114 = arith.constant 64 : index
        %get3A_115 = tpu.vector_load %arg8[%get3A_113, %get3A_114] {strides = array<i32>} : memref<200x128xf32, #tpu.memory_space<vmem>>, vector<1x16xf32>,
        %get3A_116 = vector.shape_cast %get3A_115 : vector<1x16xf32> to vector<16xf32>
        %get3A_117 = arith.index_cast %scan3A_58 : i32 to index
        %get3A_118 = arith.constant 64 : index
        %get3A_119 = tpu.vector_load %arg7[%get3A_117, %get3A_118] {strides = array<i32>} : memref<200x128xf32, #tpu.memory_space<vmem>>, vector<1x16xf32>,
        %get3A_120 = vector.shape_cast %get3A_119 : vector<1x16xf32> to vector<16xf32>
        %add3A_121 = arith.addf %get3A_116, %get3A_120 : vector<16xf32>
        %swap3A_122 = arith.index_cast %scan3A_58 : i32 to index
        %swap3A_123 = arith.constant 64 : index
        %swap3A_124 = tpu.vector_load %arg8[%swap3A_122, %swap3A_123] {strides = array<i32>} : memref<200x128xf32, #tpu.memory_space<vmem>>, vector<1x16xf32>,
        %swap3A_125 = vector.shape_cast %swap3A_124 : vector<1x16xf32> to vector<16xf32>
        %swap3A_126 = vector.shape_cast %add3A_121 : vector<16xf32> to vector<1x16xf32>
        tpu.vector_store %arg8[%swap3A_122, %swap3A_123], %swap3A_126 {strides = array<i32>} : memref<200x128xf32, #tpu.memory_space<vmem>>, vector<1x16xf32>,
        %get3A_127 = arith.index_cast %scan3A_58 : i32 to index
        %get3A_128 = arith.constant 80 : index
        %get3A_129 = tpu.vector_load %arg8[%get3A_127, %get3A_128] {strides = array<i32>} : memref<200x128xf32, #tpu.memory_space<vmem>>, vector<1x16xf32>,
        %get3A_130 = vector.shape_cast %get3A_129 : vector<1x16xf32> to vector<16xf32>
        %get3A_131 = arith.index_cast %scan3A_58 : i32 to index
        %get3A_132 = arith.constant 80 : index
        %get3A_133 = tpu.vector_load %arg7[%get3A_131, %get3A_132] {strides = array<i32>} : memref<200x128xf32, #tpu.memory_space<vmem>>, vector<1x16xf32>,
        %get3A_134 = vector.shape_cast %get3A_133 : vector<1x16xf32> to vector<16xf32>
        %add3A_135 = arith.addf %get3A_130, %get3A_134 : vector<16xf32>
        %swap3A_136 = arith.index_cast %scan3A_58 : i32 to index
        %swap3A_137 = arith.constant 80 : index
        %swap3A_138 = tpu.vector_load %arg8[%swap3A_136, %swap3A_137] {strides = array<i32>} : memref<200x128xf32, #tpu.memory_space<vmem>>, vector<1x16xf32>,
        %swap3A_139 = vector.shape_cast %swap3A_138 : vector<1x16xf32> to vector<16xf32>
        %swap3A_140 = vector.shape_cast %add3A_135 : vector<16xf32> to vector<1x16xf32>
        tpu.vector_store %arg8[%swap3A_136, %swap3A_137], %swap3A_140 {strides = array<i32>} : memref<200x128xf32, #tpu.memory_space<vmem>>, vector<1x16xf32>,
        %get3A_141 = arith.index_cast %scan3A_58 : i32 to index
        %get3A_142 = arith.constant 96 : index
        %get3A_143 = tpu.vector_load %arg8[%get3A_141, %get3A_142] {strides = array<i32>} : memref<200x128xf32, #tpu.memory_space<vmem>>, vector<1x16xf32>,
        %get3A_144 = vector.shape_cast %get3A_143 : vector<1x16xf32> to vector<16xf32>
        %get3A_145 = arith.index_cast %scan3A_58 : i32 to index
        %get3A_146 = arith.constant 96 : index
        %get3A_147 = tpu.vector_load %arg7[%get3A_145, %get3A_146] {strides = array<i32>} : memref<200x128xf32, #tpu.memory_space<vmem>>, vector<1x16xf32>,
        %get3A_148 = vector.shape_cast %get3A_147 : vector<1x16xf32> to vector<16xf32>
        %add3A_149 = arith.addf %get3A_144, %get3A_148 : vector<16xf32>
        %swap3A_150 = arith.index_cast %scan3A_58 : i32 to index
        %swap3A_151 = arith.constant 96 : index
        %swap3A_152 = tpu.vector_load %arg8[%swap3A_150, %swap3A_151] {strides = array<i32>} : memref<200x128xf32, #tpu.memory_space<vmem>>, vector<1x16xf32>,
        %swap3A_153 = vector.shape_cast %swap3A_152 : vector<1x16xf32> to vector<16xf32>
        %swap3A_154 = vector.shape_cast %add3A_149 : vector<16xf32> to vector<1x16xf32>
        tpu.vector_store %arg8[%swap3A_150, %swap3A_151], %swap3A_154 {strides = array<i32>} : memref<200x128xf32, #tpu.memory_space<vmem>>, vector<1x16xf32>,
        %get3A_155 = arith.index_cast %scan3A_58 : i32 to index
        %get3A_156 = arith.constant 112 : index
        %get3A_157 = tpu.vector_load %arg8[%get3A_155, %get3A_156] {strides = array<i32>} : memref<200x128xf32, #tpu.memory_space<vmem>>, vector<1x16xf32>,
        %get3A_158 = vector.shape_cast %get3A_157 : vector<1x16xf32> to vector<16xf32>
        %get3A_159 = arith.index_cast %scan3A_58 : i32 to index
        %get3A_160 = arith.constant 112 : index
        %get3A_161 = tpu.vector_load %arg7[%get3A_159, %get3A_160] {strides = array<i32>} : memref<200x128xf32, #tpu.memory_space<vmem>>, vector<1x16xf32>,
        %get3A_162 = vector.shape_cast %get3A_161 : vector<1x16xf32> to vector<16xf32>
        %add3A_163 = arith.addf %get3A_158, %get3A_162 : vector<16xf32>
        %swap3A_164 = arith.index_cast %scan3A_58 : i32 to index
        %swap3A_165 = arith.constant 112 : index
        %swap3A_166 = tpu.vector_load %arg8[%swap3A_164, %swap3A_165] {strides = array<i32>} : memref<200x128xf32, #tpu.memory_space<vmem>>, vector<1x16xf32>,
        %swap3A_167 = vector.shape_cast %swap3A_166 : vector<1x16xf32> to vector<16xf32>
        %swap3A_168 = vector.shape_cast %add3A_163 : vector<16xf32> to vector<1x16xf32>
        tpu.vector_store %arg8[%swap3A_164, %swap3A_165], %swap3A_168 {strides = array<i32>} : memref<200x128xf32, #tpu.memory_space<vmem>>, vector<1x16xf32>,
        %scan3A_169 = arith.constant 1 : i32
        %scan3A_170 = arith.addi %scan3A_58, %scan3A_169 : i32
        %get3A_171 = arith.index_cast %scan3A_170 : i32 to index
        %get3A_172 = arith.constant 0 : index
        %get3A_173 = tpu.vector_load %arg8[%get3A_171, %get3A_172] {strides = array<i32>} : memref<200x128xf32, #tpu.memory_space<vmem>>, vector<1x16xf32>,
        %get3A_174 = vector.shape_cast %get3A_173 : vector<1x16xf32> to vector<16xf32>
        %get3A_175 = arith.index_cast %scan3A_170 : i32 to index
        %get3A_176 = arith.constant 0 : index
        %get3A_177 = tpu.vector_load %arg7[%get3A_175, %get3A_176] {strides = array<i32>} : memref<200x128xf32, #tpu.memory_space<vmem>>, vector<1x16xf32>,
        %get3A_178 = vector.shape_cast %get3A_177 : vector<1x16xf32> to vector<16xf32>
        %add3A_179 = arith.addf %get3A_174, %get3A_178 : vector<16xf32>
        %swap3A_180 = arith.index_cast %scan3A_170 : i32 to index
        %swap3A_181 = arith.constant 0 : index
        %swap3A_182 = tpu.vector_load %arg8[%swap3A_180, %swap3A_181] {strides = array<i32>} : memref<200x128xf32, #tpu.memory_space<vmem>>, vector<1x16xf32>,
        %swap3A_183 = vector.shape_cast %swap3A_182 : vector<1x16xf32> to vector<16xf32>
        %swap3A_184 = vector.shape_cast %add3A_179 : vector<16xf32> to vector<1x16xf32>
        tpu.vector_store %arg8[%swap3A_180, %swap3A_181], %swap3A_184 {strides = array<i32>} : memref<200x128xf32, #tpu.memory_space<vmem>>, vector<1x16xf32>,
        %get3A_185 = arith.index_cast %scan3A_170 : i32 to index
        %get3A_186 = arith.constant 16 : index
        %get3A_187 = tpu.vector_load %arg8[%get3A_185, %get3A_186] {strides = array<i32>} : memref<200x128xf32, #tpu.memory_space<vmem>>, vector<1x16xf32>,
        %get3A_188 = vector.shape_cast %get3A_187 : vector<1x16xf32> to vector<16xf32>
        %get3A_189 = arith.index_cast %scan3A_170 : i32 to index
        %get3A_190 = arith.constant 16 : index
        %get3A_191 = tpu.vector_load %arg7[%get3A_189, %get3A_190] {strides = array<i32>} : memref<200x128xf32, #tpu.memory_space<vmem>>, vector<1x16xf32>,
        %get3A_192 = vector.shape_cast %get3A_191 : vector<1x16xf32> to vector<16xf32>
        %add3A_193 = arith.addf %get3A_188, %get3A_192 : vector<16xf32>
        %swap3A_194 = arith.index_cast %scan3A_170 : i32 to index
        %swap3A_195 = arith.constant 16 : index
        %swap3A_196 = tpu.vector_load %arg8[%swap3A_194, %swap3A_195] {strides = array<i32>} : memref<200x128xf32, #tpu.memory_space<vmem>>, vector<1x16xf32>,
        %swap3A_197 = vector.shape_cast %swap3A_196 : vector<1x16xf32> to vector<16xf32>
        %swap3A_198 = vector.shape_cast %add3A_193 : vector<16xf32> to vector<1x16xf32>
        tpu.vector_store %arg8[%swap3A_194, %swap3A_195], %swap3A_198 {strides = array<i32>} : memref<200x128xf32, #tpu.memory_space<vmem>>, vector<1x16xf32>,
        %get3A_199 = arith.index_cast %scan3A_170 : i32 to index
        %get3A_200 = arith.constant 32 : index
        %get3A_201 = tpu.vector_load %arg8[%get3A_199, %get3A_200] {strides = array<i32>} : memref<200x128xf32, #tpu.memory_space<vmem>>, vector<1x16xf32>,
        %get3A_202 = vector.shape_cast %get3A_201 : vector<1x16xf32> to vector<16xf32>
        %get3A_203 = arith.index_cast %scan3A_170 : i32 to index
        %get3A_204 = arith.constant 32 : index
        %get3A_205 = tpu.vector_load %arg7[%get3A_203, %get3A_204] {strides = array<i32>} : memref<200x128xf32, #tpu.memory_space<vmem>>, vector<1x16xf32>,
        %get3A_206 = vector.shape_cast %get3A_205 : vector<1x16xf32> to vector<16xf32>
        %add3A_207 = arith.addf %get3A_202, %get3A_206 : vector<16xf32>
        %swap3A_208 = arith.index_cast %scan3A_170 : i32 to index
        %swap3A_209 = arith.constant 32 : index
        %swap3A_210 = tpu.vector_load %arg8[%swap3A_208, %swap3A_209] {strides = array<i32>} : memref<200x128xf32, #tpu.memory_space<vmem>>, vector<1x16xf32>,
        %swap3A_211 = vector.shape_cast %swap3A_210 : vector<1x16xf32> to vector<16xf32>
        %swap3A_212 = vector.shape_cast %add3A_207 : vector<16xf32> to vector<1x16xf32>
        tpu.vector_store %arg8[%swap3A_208, %swap3A_209], %swap3A_212 {strides = array<i32>} : memref<200x128xf32, #tpu.memory_space<vmem>>, vector<1x16xf32>,
        %get3A_213 = arith.index_cast %scan3A_170 : i32 to index
        %get3A_214 = arith.constant 48 : index
        %get3A_215 = tpu.vector_load %arg8[%get3A_213, %get3A_214] {strides = array<i32>} : memref<200x128xf32, #tpu.memory_space<vmem>>, vector<1x16xf32>,
        %get3A_216 = vector.shape_cast %get3A_215 : vector<1x16xf32> to vector<16xf32>
        %get3A_217 = arith.index_cast %scan3A_170 : i32 to index
        %get3A_218 = arith.constant 48 : index
        %get3A_219 = tpu.vector_load %arg7[%get3A_217, %get3A_218] {strides = array<i32>} : memref<200x128xf32, #tpu.memory_space<vmem>>, vector<1x16xf32>,
        %get3A_220 = vector.shape_cast %get3A_219 : vector<1x16xf32> to vector<16xf32>
        %add3A_221 = arith.addf %get3A_216, %get3A_220 : vector<16xf32>
        %swap3A_222 = arith.index_cast %scan3A_170 : i32 to index
        %swap3A_223 = arith.constant 48 : index
        %swap3A_224 = tpu.vector_load %arg8[%swap3A_222, %swap3A_223] {strides = array<i32>} : memref<200x128xf32, #tpu.memory_space<vmem>>, vector<1x16xf32>,
        %swap3A_225 = vector.shape_cast %swap3A_224 : vector<1x16xf32> to vector<16xf32>
        %swap3A_226 = vector.shape_cast %add3A_221 : vector<16xf32> to vector<1x16xf32>
        tpu.vector_store %arg8[%swap3A_222, %swap3A_223], %swap3A_226 {strides = array<i32>} : memref<200x128xf32, #tpu.memory_space<vmem>>, vector<1x16xf32>,
        %get3A_227 = arith.index_cast %scan3A_170 : i32 to index
        %get3A_228 = arith.constant 64 : index
        %get3A_229 = tpu.vector_load %arg8[%get3A_227, %get3A_228] {strides = array<i32>} : memref<200x128xf32, #tpu.memory_space<vmem>>, vector<1x16xf32>,
        %get3A_230 = vector.shape_cast %get3A_229 : vector<1x16xf32> to vector<16xf32>
        %get3A_231 = arith.index_cast %scan3A_170 : i32 to index
        %get3A_232 = arith.constant 64 : index
        %get3A_233 = tpu.vector_load %arg7[%get3A_231, %get3A_232] {strides = array<i32>} : memref<200x128xf32, #tpu.memory_space<vmem>>, vector<1x16xf32>,
        %get3A_234 = vector.shape_cast %get3A_233 : vector<1x16xf32> to vector<16xf32>
        %add3A_235 = arith.addf %get3A_230, %get3A_234 : vector<16xf32>
        %swap3A_236 = arith.index_cast %scan3A_170 : i32 to index
        %swap3A_237 = arith.constant 64 : index
        %swap3A_238 = tpu.vector_load %arg8[%swap3A_236, %swap3A_237] {strides = array<i32>} : memref<200x128xf32, #tpu.memory_space<vmem>>, vector<1x16xf32>,
        %swap3A_239 = vector.shape_cast %swap3A_238 : vector<1x16xf32> to vector<16xf32>
        %swap3A_240 = vector.shape_cast %add3A_235 : vector<16xf32> to vector<1x16xf32>
        tpu.vector_store %arg8[%swap3A_236, %swap3A_237], %swap3A_240 {strides = array<i32>} : memref<200x128xf32, #tpu.memory_space<vmem>>, vector<1x16xf32>,
        %get3A_241 = arith.index_cast %scan3A_170 : i32 to index
        %get3A_242 = arith.constant 80 : index
        %get3A_243 = tpu.vector_load %arg8[%get3A_241, %get3A_242] {strides = array<i32>} : memref<200x128xf32, #tpu.memory_space<vmem>>, vector<1x16xf32>,
        %get3A_244 = vector.shape_cast %get3A_243 : vector<1x16xf32> to vector<16xf32>
        %get3A_245 = arith.index_cast %scan3A_170 : i32 to index
        %get3A_246 = arith.constant 80 : index
        %get3A_247 = tpu.vector_load %arg7[%get3A_245, %get3A_246] {strides = array<i32>} : memref<200x128xf32, #tpu.memory_space<vmem>>, vector<1x16xf32>,
        %get3A_248 = vector.shape_cast %get3A_247 : vector<1x16xf32> to vector<16xf32>
        %add3A_249 = arith.addf %get3A_244, %get3A_248 : vector<16xf32>
        %swap3A_250 = arith.index_cast %scan3A_170 : i32 to index
        %swap3A_251 = arith.constant 80 : index
        %swap3A_252 = tpu.vector_load %arg8[%swap3A_250, %swap3A_251] {strides = array<i32>} : memref<200x128xf32, #tpu.memory_space<vmem>>, vector<1x16xf32>,
        %swap3A_253 = vector.shape_cast %swap3A_252 : vector<1x16xf32> to vector<16xf32>
        %swap3A_254 = vector.shape_cast %add3A_249 : vector<16xf32> to vector<1x16xf32>
        tpu.vector_store %arg8[%swap3A_250, %swap3A_251], %swap3A_254 {strides = array<i32>} : memref<200x128xf32, #tpu.memory_space<vmem>>, vector<1x16xf32>,
        %get3A_255 = arith.index_cast %scan3A_170 : i32 to index
        %get3A_256 = arith.constant 96 : index
        %get3A_257 = tpu.vector_load %arg8[%get3A_255, %get3A_256] {strides = array<i32>} : memref<200x128xf32, #tpu.memory_space<vmem>>, vector<1x16xf32>,
        %get3A_258 = vector.shape_cast %get3A_257 : vector<1x16xf32> to vector<16xf32>
        %get3A_259 = arith.index_cast %scan3A_170 : i32 to index
        %get3A_260 = arith.constant 96 : index
        %get3A_261 = tpu.vector_load %arg7[%get3A_259, %get3A_260] {strides = array<i32>} : memref<200x128xf32, #tpu.memory_space<vmem>>, vector<1x16xf32>,
        %get3A_262 = vector.shape_cast %get3A_261 : vector<1x16xf32> to vector<16xf32>
        %add3A_263 = arith.addf %get3A_258, %get3A_262 : vector<16xf32>
        %swap3A_264 = arith.index_cast %scan3A_170 : i32 to index
        %swap3A_265 = arith.constant 96 : index
        %swap3A_266 = tpu.vector_load %arg8[%swap3A_264, %swap3A_265] {strides = array<i32>} : memref<200x128xf32, #tpu.memory_space<vmem>>, vector<1x16xf32>,
        %swap3A_267 = vector.shape_cast %swap3A_266 : vector<1x16xf32> to vector<16xf32>
        %swap3A_268 = vector.shape_cast %add3A_263 : vector<16xf32> to vector<1x16xf32>
        tpu.vector_store %arg8[%swap3A_264, %swap3A_265], %swap3A_268 {strides = array<i32>} : memref<200x128xf32, #tpu.memory_space<vmem>>, vector<1x16xf32>,
        %get3A_269 = arith.index_cast %scan3A_170 : i32 to index
        %get3A_270 = arith.constant 112 : index
        %get3A_271 = tpu.vector_load %arg8[%get3A_269, %get3A_270] {strides = array<i32>} : memref<200x128xf32, #tpu.memory_space<vmem>>, vector<1x16xf32>,
        %get3A_272 = vector.shape_cast %get3A_271 : vector<1x16xf32> to vector<16xf32>
        %get3A_273 = arith.index_cast %scan3A_170 : i32 to index
        %get3A_274 = arith.constant 112 : index
        %get3A_275 = tpu.vector_load %arg7[%get3A_273, %get3A_274] {strides = array<i32>} : memref<200x128xf32, #tpu.memory_space<vmem>>, vector<1x16xf32>,
        %get3A_276 = vector.shape_cast %get3A_275 : vector<1x16xf32> to vector<16xf32>
        %add3A_277 = arith.addf %get3A_272, %get3A_276 : vector<16xf32>
        %swap3A_278 = arith.index_cast %scan3A_170 : i32 to index
        %swap3A_279 = arith.constant 112 : index
        %swap3A_280 = tpu.vector_load %arg8[%swap3A_278, %swap3A_279] {strides = array<i32>} : memref<200x128xf32, #tpu.memory_space<vmem>>, vector<1x16xf32>,
        %swap3A_281 = vector.shape_cast %swap3A_280 : vector<1x16xf32> to vector<16xf32>
        %swap3A_282 = vector.shape_cast %add3A_277 : vector<16xf32> to vector<1x16xf32>
        tpu.vector_store %arg8[%swap3A_278, %swap3A_279], %swap3A_282 {strides = array<i32>} : memref<200x128xf32, #tpu.memory_space<vmem>>, vector<1x16xf32>,
      }
      %scan3A_55 = arith.constant 200 : i32
      %mul3A_56 = arith.constant 200 : i32
      %mul3A_57 = arith.muli %add3A_9, %mul3A_56 : i32
      "tpu.region"() ({
        %run_scoped3A = tpu.sem_alloc : memref<!tpu.dma_semaphore, #tpu.memory_space<semaphore_mem>>
        %dma_start3A_58 = arith.constant 0 : i32
        %dma_start3A_59 = tpu.memref_slice %arg5[%mul3A_57, %dma_start3A_58] : memref<819200x128xf32, #tpu.memory_space<hbm>> -> memref<200x128xf32, #tpu.memory_space<hbm>>
        %dma_start3A_60 = arith.constant 0 : i32
        %dma_start3A_61 = tpu.memref_slice %arg5[%mul3A_57, %dma_start3A_60] : memref<819200x128xf32, #tpu.memory_space<hbm>> -> memref<200x128xf32, #tpu.memory_space<hbm>>
        tpu.enqueue_dma source(%arg8 : memref<200x128xf32, #tpu.memory_space<vmem>>) target(%dma_start3A_61 : memref<200x128xf32, #tpu.memory_space<hbm>>) target_semaphore(%run_scoped3A : memref<!tpu.dma_semaphore, #tpu.memory_space<semaphore_mem>>)
        %dma_wait3A_62 = arith.constant 0 : i32
        %dma_wait3A_63 = tpu.memref_slice %arg5[%mul3A_57, %dma_wait3A_62] : memref<819200x128xf32, #tpu.memory_space<hbm>> -> memref<200x128xf32, #tpu.memory_space<hbm>>
        %dma_wait3A_64 = arith.constant 0 : i32
        %dma_wait3A_65 = tpu.memref_slice %arg5[%mul3A_57, %dma_wait3A_64] : memref<819200x128xf32, #tpu.memory_space<hbm>> -> memref<200x128xf32, #tpu.memory_space<hbm>>
        tpu.wait_dma2 semaphore(%run_scoped3A : memref<!tpu.dma_semaphore, #tpu.memory_space<semaphore_mem>>) src(%arg8 : memref<200x128xf32, #tpu.memory_space<vmem>>) dst(%dma_wait3A_65 : memref<200x128xf32, #tpu.memory_space<hbm>>)
        tpu.yield
      }) : () -> ()
    }
    %scan3A_5 = arith.constant 128 : i32
    return
  }
}

</mosaic_0001>

<sc_bundles>
// kernel: kernel.3.cloned.1.call-start
scs
__scs_entry_jumppad:
0x0: {  	(pc) =	sbr.rel $0x88, $3  }
0x1: {  	(tag) =	ssettag $0x0;
	lr =	simm.s32 $0x1  }
0x2: {  	[smem:$0x3F9E] =	sst lr;
	_ =	strace $0xD0000000  }
0x3: {  	_ = 	snop  }
0x4: {  	_ = 	snop  }
0x5: {  	_ = 	snop  }
0x6: {  	_ = 	snop  }
0x7: {  	_ = 	snop  }
__scs_overlays_trampoline_lowered:
0x8: {  	[smem:$0x3FAD] =	sst s0  }
0x9: {  	[smem:$0x3FAE] =	sst s1  }
0xa: {  	[smem:$0x3FAF] =	sst s2  }
0xb: {  	[smem:$0x3FB0] =	sst s3  }
0xc: {  	[smem:$0x3FB1] =	sst s4  }
0xd: {  	[smem:$0x3FB2] =	sst s5  }
0xe: {  	[smem:$0x3FB3] =	sst s6  }
0xf: {  	[smem:$0x3FB4] =	sst s7  }
0x10: {  	[smem:$0x3FB5] =	sst s8  }
0x11: {  	[smem:$0x3FB6] =	sst s9;
	s0 =	simm.s32 @!p0 $0x0  }
0x12: {  	s1 =	sld [smem:$0x3F9C];
	s0 =	simm.s32 @p0 $0x1  }
0x13: {  	[smem:$0x3FB7] =	sst s0;
	s0 =	simm.s32 @!p1 $0x0  }
0x14: {  	s2 =	sld [smem:$0x3F9B];
	s0 =	simm.s32 @p1 $0x1  }
0x15: {  	[smem:$0x3FB8] =	sst s0;
	s0 =	simm.s32 @!p2 $0x0  }
0x16: {  	s3 =	sld [smem:$0x3FDB];
	s0 =	simm.s32 @p2 $0x1  }
0x17: {  	s4 =	simm.s32 $0x1BF5;
	[smem:$0x3FBA] =	sst s0  }
0x18: {  	s0 =	sld [smem:$0x3F9D];
	_ =	swait.ge [sflag:s4], $0x0  }
0x19: {  	s7 =	sld [smem:$0x3F9E]  }
0x1a: {  	s8 =	sadd.s32 $0xFFFFE003, lr  }
0x1b: {  	s9 =	sadd.s32 $0xFFFFFEF7, lr;
	s5 =	simm.s32 $0xFFFFFFFF;
	p2 =	slt.u32 s8, $0xFFFFF086  }
0x1c: {  	p1 =	slt.u32 s9, $0xF7A;
	s5 =	simm.s32 @!p2 $0x0  }
0x1d: {  	s5 =	simm.s32 @p1 $0x1;
	p0 =	seq.s32 s7, s2  }
0x1e: {  	s7 =	smul.u32 @!p0 $0xF7A, s2;
	p2 =	seq.s32 @!p0 s5, $0x0  }
0x1f: {  	s9 =	smul.u32 $0xF7A, s1;
	s8 =	simm.s32 @!p0 $0x1BF5;
	p2 =	por !p2, p0  }
0x20: {  	[sflag:s8] =	ssyncset.s32 @!p0 $0xFFFFF086;
	s6 =	sadd.s32 @!p0 s3, s7;
	s7 =	simm.s32 @!p0 $0x108  }
0x21: {  	s3 =	sadd.s32 s3, s9;
	s6 =	sadd.s32 @!p0 $0x88, s6;
	s7 =	simm.s32 @p2 $0x1082  }
0x22: {  	[simem:s7], [sflag:s8] =	dma.local @!p0 [hbm:s6], $0xF7A  }
0x23: {  	s9 =	sor.u32 $0xD0000000, s2;
	s6 =	simm.s32 $0x108;
	_ =	swait.ge @!p0 [sflag:s8], $0x0  }
0x24: {  	s3 =	sadd.s32 $0x88, s3;
	s6 =	simm.s32 @!p1 $0x1082;
	[sflag:s4] =	ssyncset.s32 $0xFFFFF086  }
0x25: {  	[simem:s6], [sflag:s4] =	dma.local [hbm:s3], $0xF7A  }
0x26: {  	[smem:$0x3F9E] =	sst s1;
	(tag) =	ssettag s2;
	_ =	strace s9  }
0x27: {  	s1 =	sld [smem:$0x3FAE]  }
0x28: {  	s2 =	sld [smem:$0x3FAF]  }
0x29: {  	s4 =	sld [smem:$0x3FB1]  }
0x2a: {  	p0 =	seq.s32 s5, $0x0;
	s5 =	sld [smem:$0x3FB2]  }
0x2b: {  	s6 =	sld [smem:$0x3FB3]  }
0x2c: {  	s7 =	sld [smem:$0x3FB4]  }
0x2d: {  	s3 =	simm.s32 $0x108;
	s8 =	sld [smem:$0x3FB5]  }
0x2e: {  	s3 =	simm.s32 @!p0 $0x1082;
	s9 =	sld [smem:$0x3FB6]  }
0x2f: {  	lr =	sadd.s32 s0, s3;
	s0 =	sld [smem:$0x3FAD]  }
0x30: {  	s3 =	sld [smem:$0x3FB0]  }
0x31: {  	[smem:$0x3FB9] =	sst s10  }
0x32: {  	s10 =	sld [smem:$0x3FB7];
	_ =	sdelay $0x3  }
0x33: {  	p0 =	seq.s32 s10, $0x1;
	s10 =	sld [smem:$0x3FB9];
	_ =	sdelay $0x3  }
0x34: {  	[smem:$0x3FB9] =	sst s10  }
0x35: {  	s10 =	sld [smem:$0x3FB8];
	_ =	sdelay $0x3  }
0x36: {  	p1 =	seq.s32 s10, $0x1;
	s10 =	sld [smem:$0x3FB9];
	_ =	sdelay $0x3  }
0x37: {  	[smem:$0x3FB9] =	sst s10  }
0x38: {  	s10 =	sld [smem:$0x3FBA]  }
0x39: {  	_ = 	snop;
	(pc) =	sbr.ind lr, $3  }
0x3a: {  	_ = 	snop  }
0x3b: {  	_ = 	snop  }
0x3c: {  	p2 =	seq.s32 s10, $0x1;
	s10 =	sld [smem:$0x3FB9]  }
0x3d: {  	_ =	shalt  }
0x3e: {  	_ =	shalt  }
0x3f: {  	_ =	shalt  }
0x40: {  	_ =	shalt  }
0x41: {  	_ =	shalt  }
0x42: {  	_ =	shalt  }
0x43: {  	_ =	shalt  }
0x44: {  	_ =	shalt  }
0x45: {  	_ =	shalt  }
0x46: {  	_ =	shalt  }
0x47: {  	_ =	shalt  }
0x48: {  	_ =	shalt  }
0x49: {  	_ =	shalt  }
0x4a: {  	_ =	shalt  }
0x4b: {  	_ =	shalt  }
0x4c: {  	_ =	shalt  }
0x4d: {  	_ =	shalt  }
0x4e: {  	_ =	shalt  }
0x4f: {  	_ =	shalt  }
0x50: {  	_ =	shalt  }
0x51: {  	_ =	shalt  }
0x52: {  	_ =	shalt  }
0x53: {  	_ =	shalt  }
0x54: {  	_ =	shalt  }
0x55: {  	_ =	shalt  }
0x56: {  	_ =	shalt  }
0x57: {  	_ =	shalt  }
0x58: {  	_ =	shalt  }
0x59: {  	_ =	shalt  }
0x5a: {  	_ =	shalt  }
0x5b: {  	_ =	shalt  }
0x5c: {  	_ =	shalt  }
0x5d: {  	_ =	shalt  }
0x5e: {  	_ =	shalt  }
0x5f: {  	_ =	shalt  }
0x60: {  	_ =	shalt  }
0x61: {  	_ =	shalt  }
0x62: {  	_ =	shalt  }
0x63: {  	_ =	shalt  }
0x64: {  	_ =	shalt  }
0x65: {  	_ =	shalt  }
0x66: {  	_ =	shalt  }
0x67: {  	_ =	shalt  }
0x68: {  	_ =	shalt  }
0x69: {  	_ =	shalt  }
0x6a: {  	_ =	shalt  }
0x6b: {  	_ =	shalt  }
0x6c: {  	_ =	shalt  }
0x6d: {  	_ =	shalt  }
0x6e: {  	_ =	shalt  }
0x6f: {  	_ =	shalt  }
0x70: {  	_ =	shalt  }
0x71: {  	_ =	shalt  }
0x72: {  	_ =	shalt  }
0x73: {  	_ =	shalt  }
0x74: {  	_ =	shalt  }
0x75: {  	_ =	shalt  }
0x76: {  	_ =	shalt  }
0x77: {  	_ =	shalt  }
0x78: {  	_ =	shalt  }
0x79: {  	_ =	shalt  }
0x7a: {  	_ =	shalt  }
0x7b: {  	_ =	shalt  }
0x7c: {  	_ =	shalt  }
0x7d: {  	_ =	shalt  }
0x7e: {  	_ =	shalt  }
0x7f: {  	_ =	shalt  }
0x80: {  	_ =	shalt  }
0x81: {  	_ =	shalt  }
0x82: {  	_ =	shalt  }
0x83: {  	_ =	shalt  }
0x84: {  	_ =	shalt  }
0x85: {  	_ =	shalt  }
0x86: {  	_ =	shalt  }
0x87: {  	_ =	shalt  }
.Lfunc_end0:
.L_simem_size_0:
called_computation_lowered:
.L_overlay_start_0:
0x88: {  	s2 =	sld [smem:$0x3FD9]  }
0x89: {  	s3 =	sld [smem:$0x3FFE];
	_ =	sdelay $0x1  }
0x8a: {  	s1 =	srdreg.scid  }
0x8b: {  	s0 =	sand.u32 $0x1, s1  }
0x8c: {  	s17 =	sshll.u32 s0, $0xA;
	s2 =	sadd.s32 s3, s2  }
0x8d: {  	s2 =	sadd.s32 s2, s17  }
0x8e: {  	[smem:$0x3FC5] =	sst s2  }
0x8f: {  	_ = 	snop  }
0x90: {  	s2 =	sld [smem:$0x3FC8]  }
0x91: {  	s18 =	sld [smem:$0x3FD0];
	(tm) =	ssettm $0x1  }
0x92: {  	s4 =	sld [smem:$0x3FFB];
	_ =	sdelay $0x3  }
0x93: {  	_ =	strace s4  }
0x94: {  	s4 =	sld [smem:$0x3FFC];
	_ =	sdelay $0x3  }
0x95: {  	_ =	strace s4  }
0x96: {  	s4 =	sld [smem:$0x3FFD];
	_ =	sdelay $0x3  }
0x97: {  	_ =	strace s4  }
0x98: {  	_ =	strace $0x8FFFFFFF  }
0x99: {  	s19 =	sld [smem:$0x3FDB];
	_ =	sdelay $0x1  }
0x9a: {  	s5 =	simm.s32 $_scs_section_size  }
0x9b: {  	s6 =	simm.s32 $_size__tile_overlayer_lowered;
	s7 =	simm.s32 $_tile_overlayer_lowered  }
0x9c: {  	s22 =	simm.s32 $0x1BFF;
	s21 =	sshll.u32 s7, $0x1;
	s4 =	sadd.s32 s5, s19  }
0x9d: {  	s8 =	simm.s32 $0x0;
	s20 =	sshll.u32 s6, $0x1;
	s6 =	sadd.s32 s21, s4  }
0x9e: {  	[timem:s8], [sflag:s22] =	dma.local [hbm:s6], s20  }
0x9f: {  	_ =	swait.ge [sflag:s22], s20  }
0xa0: {  	s5 =	ssub.s32 $0x0, s20;
	[sflag:s22] =	ssyncset.done $0x0  }
0xa1: {  	[sflag:s22] =	ssyncadd.s32 s5;
	_ =	sdelay $0x1  }
0xa2: {  	s23 =	simm.s32 $0x1B8B  }
0xa3: {  	_ =	swait.ge [sflag:s23], $0x1  }
0xa4: {  	[sflag:s23] =	ssyncset.done $0x0  }
0xa5: {  	s25 =	simm.s32 $0x1B8E;
	s24 =	sld [smem:$0x3FFE];
	[sflag:s23] =	ssyncadd.s32 $0xFFFFFFFF  }
0xa6: {  	s26 =	simm.s32 $execute0_lowered;
	[smem:$0x3FD2] =	sst s25  }
0xa7: {  	s6 =	sshll.u32 s26, $0x1;
	_ =	strace $0x80000046;
	[dreg:$0x1] =	wrdreg $0xFFFFFFFF  }
0xa8: {  	s28 =	simm.s32 $_size_execute0_lowered;
	s4 =	sadd.s32 s4, s6;
	[dreg:$0x0] =	wrdreg $0x0  }
0xa9: {  	s6 =	sshll.u32 s28, $0x1;
	[dreg:$0x2] =	wrdreg s4  }
0xaa: {  	[dreg:$0x3] =	wrdreg s6  }
0xab: {  	[dreg:$0x4] =	wrdreg $0xC0  }
0xac: {  	_ =	task [dreg:s8], $0x5FFFF  }
0xad: {  	[dreg:$0x1] =	wrdreg $0xFFFFFFFF  }
0xae: {  	[dreg:$0x0] =	wrdreg $0x60  }
0xaf: {  	[dreg:$0x2] =	wrdreg s24  }
0xb0: {  	[dreg:$0x3] =	wrdreg s2  }
0xb1: {  	[dreg:$0x4] =	wrdreg s18  }
0xb2: {  	[dreg:$0x5] =	wrdreg $0x9  }
0xb3: {  	_ =	task.clear_ibuf [dreg:s8], $0x6FFFF;
	_ =	strace $0x90000046  }
0xb4: {  	s29 =	simm.s32 $0x9;
	_ =	strace $0x80000048  }
0xb5: {  	_ =	swait.ge [sflag:s29], $0x1  }
0xb6: {  	[sflag:s29] =	ssyncadd.s32 $0xFFFFFFFF  }
0xb7: {  	_ =	strace $0x90000048  }
0xb8: {  	_ =	sfence  }
0xb9: {  	s30 =	sld [smem:$0x0];
	_ =	sdelay $0x2  }
0xba: {  	s31 =	sshll.u32 s1, $0xD;
	s1 =	sshrl.u32 s1, $0x2  }
0xbb: {  	s3 =	sand.u32 $0x4000, s31;
	s1 =	sadd.s32 s1, s30  }
0xbc: {  	s0 =	sor.u32 s3, s0;
	s1 =	sshll.u32 s1, $0x11  }
0xbd: {  	s0 =	sor.u32 s1, s0  }
0xbe: {  	s0 =	sadd.s32 $0x8F2B, s0  }
0xbf: {  	[sflag:s0] =	ssyncadd.remote.s32 $0x1  }
0xc0: {  	_ =	sfence.sel $0xFFFF  }
0xc1: {  	[dreg:$0x0] =	wrdreg $0xFFFFFFFF;
	(pc) =	sbr.abs _section_cstart, $3  }
0xc2: {  	[dreg:$0x1] =	wrdreg $0xFFFFFFFF  }
0xc3: {  	_ =	task.clear_ibuf [dreg:s8], $0x2FFFF;
	_ =	strace $0x9FFFFFFF  }
0xc4: {  	(tm) =	ssettm $0x7FFFFFFF  }
0xc5: {  	_ =	shalt  }
tec
execute0_lowered:
.L_overlay_start_1:
0x0: {  	(tag) =	ssettag $0x1  }
0x1: {  	s6 =	rddreg [dreg:$0x0]  }
0x2: {  	s1 =	rddreg [dreg:$0x1]  }
0x3: {  	s2 =	rddreg [dreg:$0x2]  }
0x4: {  	s0 =	rddreg [dreg:$0x3];
	s3 =	simm.s32 $0x0;
	s4 =	srdreg.scid  }
0x5: {  	s11 =	simm.s32 $0x64;
	s12 =	simm.s32 $0x6500;
	s13 =	simm.s32 $0x80  }
0x6: {  	s14 =	simm.s32 $0x9700;
	s15 =	simm.s32 $0x1;
	s16 =	simm.s32 $0x0  }
0x7: {  	[smem:$0x7FF] =	sst s3;
	s7 =	sand.u32 $0x1, s4;
	s5 =	sadd.s32 $0x1200, s6  }
0x8: {  	s4 =	stileid.u32;
	s6 =	sadd.s32 $0x400, s6;
	s8 =	ssub.s32 $0x2, s7  }
0x9: {  	s10 =	sshll.u32 s4, $0x8;
	s7 =	sshll.u32 s7, $0x7;
	s9 =	sshrl.u32 s8, $0x1  }
0xa: {  	_ =	strace $0x80000047;
	s7 =	sor.u32 s7, s10;
	s8 =	ssub.s32 s8, s9  }
0xb: {  	s10 =	simm.s32 $0x2;
	s9 =	simm.s32 $0x100;
	s8 =	smax.u32 s8, $0x1  }
.LBB2_1:
0xc: {  	[tilespmem:s9], [sflag:$0x2] =	stream.linear.gather [hbm4b:s6+s3], $0x6400, $0x38;
	[tilespmem:$0xC900] =	vst v63  }
0xd: {  	_ =	swait.ge [sflag:s10], $0x6400  }
0xe: {  	[sflag:s10] =	ssyncset.done $0x0  }
0xf: {  	s17 =	simm.s32 $0x0;
	[sflag:s10] =	ssyncadd.s32 $0xFFFF9C00  }
.LBB2_2:
0x10: {  	s18 =	sadd.s32 s7, s17;
	s19 =	sshll.u32 s17, $0x5  }
0x11: {  	s20 =	sshll.u32 s18, $0x5;
	s19 =	sand.u32 $0x60, s19  }
0x12: {  	s20 =	sand.u32 $0x1FF80, s20;
	s19 =	sadd.s32 s5, s19  }
0x13: {  	s19 =	sadd.s32 s20, s19  }
0x14: {  	[tilespmem:s3], [sflag:$0x2] =	stream.linear.gather [hbm4b:s19+s3], $0x100, $0x38;
	[tilespmem:$0xC900] =	vst v63  }
0x15: {  	_ =	swait.ge [sflag:s10], $0x100  }
0x16: {  	[sflag:s10] =	ssyncset.done $0x0  }
0x17: {  	[sflag:s10] =	ssyncadd.s32 $0xFFFFFF00  }
0x18: {  	[tilespmem:s12], [sflag:$0x1] =	stream.indirect.gather [hbm4b:s1+s11], $0x80, s3, s11, $0xb8;
	[tilespmem:$0xC900] =	vst v63  }
0x19: {  	_ = 	snop  }
0x1a: {  	[tilespmem:s14], [sflag:$0x1] =	stream.indirect.gather [hbm4b:s1+s11], $0x80, s13, s11, $0xb8;
	[tilespmem:$0xC900] =	vst v63  }
0x1b: {  	_ =	swait.ge [sflag:s15], $0x3200  }
0x1c: {  	[sflag:s15] =	ssyncset.done $0x0  }
0x1d: {  	[sflag:s15] =	ssyncadd.s32 $0xFFFFCE00  }
0x1e: {  	_ =	swait.ge [sflag:s15], $0x3200  }
0x1f: {  	[sflag:s15] =	ssyncset.done $0x0  }
0x20: {  	s19 =	simm.s32 $0x6580;
	[sflag:s15] =	ssyncadd.s32 $0xFFFFCE00  }
0x21: {  	s20 =	simm.s32 $0x180;
	v0 =	vld [tilespmem:s19+$0xFFFFFF80]  }
0x22: {  	v1 =	vld [tilespmem:s20+$0xFFFFFF80];
	_ =	sdelay $0x4  }
0x23: {  	v0 =	vadd.f32 v1, v0;
	_ =	sdelay $0x1  }
0x24: {  	[tilespmem:s19+$0xFFFFFF80] =	vst v0;
	v0 =	vld [tilespmem:s19+$0xFFFFFF90]  }
0x25: {  	v1 =	vld [tilespmem:s20+$0xFFFFFF90];
	_ =	sdelay $0x4  }
0x26: {  	v0 =	vadd.f32 v1, v0;
	_ =	sdelay $0x1  }
0x27: {  	[tilespmem:s19+$0xFFFFFF90] =	vst v0;
	v0 =	vld [tilespmem:s19+$0xFFFFFFA0]  }
0x28: {  	v1 =	vld [tilespmem:s20+$0xFFFFFFA0];
	_ =	sdelay $0x4  }
0x29: {  	v0 =	vadd.f32 v1, v0;
	_ =	sdelay $0x1  }
0x2a: {  	[tilespmem:s19+$0xFFFFFFA0] =	vst v0;
	v0 =	vld [tilespmem:s19+$0xFFFFFFB0]  }
0x2b: {  	v1 =	vld [tilespmem:s20+$0xFFFFFFB0];
	_ =	sdelay $0x4  }
0x2c: {  	v0 =	vadd.f32 v1, v0;
	_ =	sdelay $0x1  }
0x2d: {  	[tilespmem:s19+$0xFFFFFFB0] =	vst v0;
	v0 =	vld [tilespmem:s19+$0xFFFFFFC0]  }
0x2e: {  	v1 =	vld [tilespmem:s20+$0xFFFFFFC0];
	_ =	sdelay $0x4  }
0x2f: {  	v0 =	vadd.f32 v1, v0;
	_ =	sdelay $0x1  }
0x30: {  	[tilespmem:s19+$0xFFFFFFC0] =	vst v0;
	v0 =	vld [tilespmem:s19+$0xFFFFFFD0]  }
0x31: {  	v1 =	vld [tilespmem:s20+$0xFFFFFFD0];
	_ =	sdelay $0x4  }
0x32: {  	v0 =	vadd.f32 v1, v0;
	_ =	sdelay $0x1  }
0x33: {  	[tilespmem:s19+$0xFFFFFFD0] =	vst v0;
	v0 =	vld [tilespmem:s19+$0xFFFFFFE0]  }
0x34: {  	v1 =	vld [tilespmem:s20+$0xFFFFFFE0];
	_ =	sdelay $0x4  }
0x35: {  	v0 =	vadd.f32 v1, v0;
	_ =	sdelay $0x1  }
0x36: {  	[tilespmem:s19+$0xFFFFFFE0] =	vst v0;
	v0 =	vld [tilespmem:s19+$0xFFFFFFF0]  }
0x37: {  	v1 =	vld [tilespmem:s20+$0xFFFFFFF0];
	_ =	sdelay $0x4  }
0x38: {  	v0 =	vadd.f32 v1, v0;
	_ =	sdelay $0x1  }
0x39: {  	[tilespmem:s19+$0xFFFFFFF0] =	vst v0;
	v0 =	vld [tilespmem:s19+$0x0]  }
0x3a: {  	v1 =	vld [tilespmem:s20+$0x0];
	_ =	sdelay $0x4  }
0x3b: {  	v0 =	vadd.f32 v1, v0;
	_ =	sdelay $0x1  }
0x3c: {  	[tilespmem:s19+$0x0] =	vst v0;
	v0 =	vld [tilespmem:s19+$0x10]  }
0x3d: {  	v1 =	vld [tilespmem:s20+$0x10];
	_ =	sdelay $0x4  }
0x3e: {  	v0 =	vadd.f32 v1, v0;
	_ =	sdelay $0x1  }
0x3f: {  	[tilespmem:s19+$0x10] =	vst v0;
	v0 =	vld [tilespmem:s19+$0x20]  }
0x40: {  	v1 =	vld [tilespmem:s20+$0x20];
	_ =	sdelay $0x4  }
0x41: {  	v0 =	vadd.f32 v1, v0;
	_ =	sdelay $0x1  }
0x42: {  	[tilespmem:s19+$0x20] =	vst v0;
	v0 =	vld [tilespmem:s19+$0x30]  }
0x43: {  	v1 =	vld [tilespmem:s20+$0x30];
	_ =	sdelay $0x4  }
0x44: {  	v0 =	vadd.f32 v1, v0;
	_ =	sdelay $0x1  }
0x45: {  	[tilespmem:s19+$0x30] =	vst v0;
	v0 =	vld [tilespmem:s19+$0x40]  }
0x46: {  	v1 =	vld [tilespmem:s20+$0x40];
	_ =	sdelay $0x4  }
0x47: {  	v0 =	vadd.f32 v1, v0;
	_ =	sdelay $0x1  }
0x48: {  	[tilespmem:s19+$0x40] =	vst v0;
	v0 =	vld [tilespmem:s19+$0x50]  }
0x49: {  	v1 =	vld [tilespmem:s20+$0x50];
	_ =	sdelay $0x4  }
0x4a: {  	v0 =	vadd.f32 v1, v0;
	_ =	sdelay $0x1  }
0x4b: {  	[tilespmem:s19+$0x50] =	vst v0;
	v0 =	vld [tilespmem:s19+$0x60]  }
0x4c: {  	v1 =	vld [tilespmem:s20+$0x60];
	_ =	sdelay $0x4  }
0x4d: {  	v0 =	vadd.f32 v1, v0;
	_ =	sdelay $0x1  }
0x4e: {  	[tilespmem:s19+$0x60] =	vst v0;
	v0 =	vld [tilespmem:s19+$0x70]  }
0x4f: {  	v1 =	vld [tilespmem:s20+$0x70];
	_ =	sdelay $0x4  }
0x50: {  	v0 =	vadd.f32 v1, v0  }
0x51: {  	s21 =	simm.s32 $0x0;
	s22 =	simm.s32 $0x6680  }
.LBB2_3:
0x52: {  	v1 =	vld [tilespmem:s22+$0xFFFFFF80];
	[tilespmem:s19+$0x70] =	vst v0;
	s20 =	sadd.s32 $0x100, s20;
	s19 =	smov.u32 s22  }
0x53: {  	s21 =	sadd.s32 $0x2, s21;
	v0 =	vld [tilespmem:s20+$0xFFFFFF80]  }
0x54: {  	p0 =	slt.u32 s21, $0xC6;
	_ =	sdelay $0x3  }
0x55: {  	v0 =	vadd.f32 v0, v1;
	_ =	sdelay $0x1  }
0x56: {  	[tilespmem:s22+$0xFFFFFF80] =	vst v0;
	v0 =	vld [tilespmem:s22+$0xFFFFFF90]  }
0x57: {  	v1 =	vld [tilespmem:s20+$0xFFFFFF90];
	_ =	sdelay $0x4  }
0x58: {  	v0 =	vadd.f32 v1, v0;
	_ =	sdelay $0x1  }
0x59: {  	[tilespmem:s22+$0xFFFFFF90] =	vst v0;
	v0 =	vld [tilespmem:s22+$0xFFFFFFA0]  }
0x5a: {  	v1 =	vld [tilespmem:s20+$0xFFFFFFA0];
	_ =	sdelay $0x4  }
0x5b: {  	v0 =	vadd.f32 v1, v0;
	_ =	sdelay $0x1  }
0x5c: {  	[tilespmem:s22+$0xFFFFFFA0] =	vst v0;
	v0 =	vld [tilespmem:s22+$0xFFFFFFB0]  }
0x5d: {  	v1 =	vld [tilespmem:s20+$0xFFFFFFB0];
	_ =	sdelay $0x4  }
0x5e: {  	v0 =	vadd.f32 v1, v0;
	_ =	sdelay $0x1  }
0x5f: {  	[tilespmem:s22+$0xFFFFFFB0] =	vst v0;
	v0 =	vld [tilespmem:s22+$0xFFFFFFC0]  }
0x60: {  	v1 =	vld [tilespmem:s20+$0xFFFFFFC0];
	_ =	sdelay $0x4  }
0x61: {  	v0 =	vadd.f32 v1, v0;
	_ =	sdelay $0x1  }
0x62: {  	[tilespmem:s22+$0xFFFFFFC0] =	vst v0;
	v0 =	vld [tilespmem:s22+$0xFFFFFFD0]  }
0x63: {  	v1 =	vld [tilespmem:s20+$0xFFFFFFD0];
	_ =	sdelay $0x4  }
0x64: {  	v0 =	vadd.f32 v1, v0;
	_ =	sdelay $0x1  }
0x65: {  	[tilespmem:s22+$0xFFFFFFD0] =	vst v0;
	v0 =	vld [tilespmem:s22+$0xFFFFFFE0]  }
0x66: {  	v1 =	vld [tilespmem:s20+$0xFFFFFFE0];
	_ =	sdelay $0x4  }
0x67: {  	v0 =	vadd.f32 v1, v0;
	_ =	sdelay $0x1  }
0x68: {  	[tilespmem:s22+$0xFFFFFFE0] =	vst v0;
	v0 =	vld [tilespmem:s22+$0xFFFFFFF0]  }
0x69: {  	v1 =	vld [tilespmem:s20+$0xFFFFFFF0];
	_ =	sdelay $0x4  }
0x6a: {  	v0 =	vadd.f32 v1, v0;
	_ =	sdelay $0x1  }
0x6b: {  	[tilespmem:s22+$0xFFFFFFF0] =	vst v0;
	v0 =	vld [tilespmem:s22+$0x0]  }
0x6c: {  	v1 =	vld [tilespmem:s20+$0x0];
	_ =	sdelay $0x4  }
0x6d: {  	v0 =	vadd.f32 v1, v0;
	_ =	sdelay $0x1  }
0x6e: {  	[tilespmem:s22+$0x0] =	vst v0;
	v0 =	vld [tilespmem:s22+$0x10]  }
0x6f: {  	v1 =	vld [tilespmem:s20+$0x10];
	_ =	sdelay $0x4  }
0x70: {  	v0 =	vadd.f32 v1, v0;
	_ =	sdelay $0x1  }
0x71: {  	[tilespmem:s22+$0x10] =	vst v0;
	v0 =	vld [tilespmem:s22+$0x20]  }
0x72: {  	v1 =	vld [tilespmem:s20+$0x20];
	_ =	sdelay $0x4  }
0x73: {  	v0 =	vadd.f32 v1, v0;
	_ =	sdelay $0x1  }
0x74: {  	[tilespmem:s22+$0x20] =	vst v0;
	v0 =	vld [tilespmem:s22+$0x30]  }
0x75: {  	v1 =	vld [tilespmem:s20+$0x30];
	_ =	sdelay $0x4  }
0x76: {  	v0 =	vadd.f32 v1, v0;
	_ =	sdelay $0x1  }
0x77: {  	[tilespmem:s22+$0x30] =	vst v0;
	v0 =	vld [tilespmem:s22+$0x40]  }
0x78: {  	v1 =	vld [tilespmem:s20+$0x40];
	_ =	sdelay $0x4  }
0x79: {  	v0 =	vadd.f32 v1, v0;
	_ =	sdelay $0x1  }
0x7a: {  	[tilespmem:s22+$0x40] =	vst v0;
	v0 =	vld [tilespmem:s22+$0x50]  }
0x7b: {  	v1 =	vld [tilespmem:s20+$0x50];
	_ =	sdelay $0x4  }
0x7c: {  	v0 =	vadd.f32 v1, v0;
	_ =	sdelay $0x1  }
0x7d: {  	[tilespmem:s22+$0x50] =	vst v0;
	v0 =	vld [tilespmem:s22+$0x60]  }
0x7e: {  	v1 =	vld [tilespmem:s20+$0x60];
	_ =	sdelay $0x4  }
0x7f: {  	v0 =	vadd.f32 v1, v0;
	_ =	sdelay $0x1  }
0x80: {  	[tilespmem:s22+$0x60] =	vst v0;
	v0 =	vld [tilespmem:s22+$0x70]  }
0x81: {  	v1 =	vld [tilespmem:s20+$0x70];
	_ =	sdelay $0x1  }
.Ltmp0:
0x82: {  	(pc) =	sbr.rel @p0 .LBB2_3-.Ltmp0, $3  }
0x83: {  	_ =	sdelay $0x1  }
0x84: {  	v0 =	vadd.f32 v1, v0  }
0x85: {  	s22 =	sadd.s32 $0x100, s22  }
0x86: {  	s18 =	smul.u32 $0xC80, s18;
	s17 =	sadd.s32 $0x1, s17  }
0x87: {  	p0 =	sne.s32 s17, $0x80  }
.Ltmp1:
0x88: {  	[tilespmem:s19+$0x70] =	vst v0;
	s18 =	sadd.s32 s2, s18;
	(pc) =	sbr.rel @p0 .LBB2_2-.Ltmp1, $4  }
0x89: {  	[hbm4b:s18+s3] =	stream.linear.scatter [tilespmem:s12], [sflag:$0x2], $0x6400, $0x38;
	[tilespmem:$0xC900] =	vst v63  }
0x8a: {  	_ =	swait.ge [sflag:s10], $0x6400  }
0x8b: {  	[sflag:s10] =	ssyncset.done $0x0  }
0x8c: {  	[sflag:s10] =	ssyncadd.s32 $0xFFFF9C00  }
0x8d: {  	s16 =	sadd.s32 $0x1, s16  }
0x8e: {  	p0 =	sne.s32 s16, s8  }
.Ltmp2:
0x8f: {  	_ = 	snop;
	(pc) =	sbr.rel @p0 .LBB2_1-.Ltmp2, $1  }
0x90: {  	_ =	sdelay $0x3  }
0x91: {  	_ =	sfence.sel $0x180000  }
0x92: {  	[bflag:$0x0] =	sbarrier.arrive $0xFFFF  }
0x93: {  	p0 =	sne.s32 s4, $0x0;
	_ =	strace $0x90000047  }
0x94: {  	s0 =	sadd.s32 @!p0 $0x100000, s0;
	[bflag:$0x2] =	sbarrier.arrive $0xFFFF  }
0x95: {  	[sflag:s0] =	ssyncadd.tile.s32 @!p0 $0x1;
	_ =	shalt  }
.Lfunc_end2:
_tile_overlayer_lowered:
.L_overlay_start_2:
0x96: {  	(tag) =	ssettag $0x2  }
0x97: {  	s0 =	rddreg [dreg:$0x0];
	s2 =	stileid.u32  }
0x98: {  	s1 =	rddreg [dreg:$0x1];
	p0 =	sne.s32 s2, $0x0  }
0x99: {  	s3 =	rddreg [dreg:$0x2];
	[bflag:$0x3] =	sbarrier.arrive $0xFFFF;
	s2 =	simm.s32 @!p0 $0x1C02  }
0x9a: {  	[timem:s3], [sflag:s2] =	dma.local @!p0 [hbm:s0], s1  }
0x9b: {  	s0 =	simm.s32 @!p0 $0x2  }
0x9c: {  	_ =	swait.ge @!p0 [sflag:s0], s1  }
0x9d: {  	s1 =	ssub.s32 @!p0 $0x0, s1;
	[sflag:s0] =	ssyncset.done @!p0 $0x0  }
0x9e: {  	[sflag:s0] =	ssyncadd.s32 @!p0 s1  }
0x9f: {  	[bflag:$0x3] =	sbarrier.arrive $0xFFFF  }
0xa0: {  	_ =	shalt  }

</sc_bundles>
